<compile_context>
chip_gen: v7x
topology: tpu7x:2x2x1
jax: 0.10.2.dev20260603
libtpu: 0.0.44.dev20260713+nightly
codegen_flags: <defaults>
</compile_context>

<pallas_src>
import functools

import jax
import jax.numpy as jnp
from jax import lax
from jax.experimental import pallas as pl
from jax.experimental.pallas import tpu as pltpu
from jax.experimental.pallas import tpu_sc as plsc

_B = 16384
_L = 9
_K = 10
_KP = 16
_NROWS = 1000064
_ZROW = 1000001
_NCORES = 2
_NSUB = 16
_NW = _NCORES * _NSUB
_BC = _B // _NW
_NBC = _BC * _L
_CH = 128
_UC = _BC // _CH
_NCH = _NBC // _CH
_UCP = 8
_NCHP = 40
_PR = _B * _KP // 128
_PRT = _PR // _NW

_mesh = plsc.VectorSubcoreMesh(
    core_axis_name="c", subcore_axis_name="s",
    num_cores=_NCORES, num_subcores=_NSUB,
)


@functools.partial(
    pl.kernel,
    out_type=jax.ShapeDtypeStruct((_PR, 128), jnp.float32),
    mesh=_mesh,
    scratch_types=[
        pltpu.VMEM((_UCP, _CH), jnp.int32),
        pltpu.VMEM((_NCHP, _CH), jnp.int32),
        pltpu.VMEM((_BC, _KP), jnp.float32),
        pltpu.VMEM((_NBC, _KP), jnp.float32),
        pltpu.VMEM((_PRT, 128), jnp.float32),
        pltpu.SemaphoreType.DMA,
        pltpu.SemaphoreType.DMA,
    ],
    compiler_params=pltpu.CompilerParams(use_tc_tiling_on_sc=False),
)
def _place_sc(user_hbm, nearby_hbm, table_hbm, psum_hbm,
              uidx_v, nbidx_v, urows_v, nbrows_v, psum_v, sem_u, sem_nb):
    wid = lax.axis_index("s") * _NCORES + lax.axis_index("c")

    pltpu.sync_copy(user_hbm.at[pl.ds(wid * _UCP, _UCP)], uidx_v)
    pltpu.sync_copy(nearby_hbm.at[pl.ds(wid * _NCHP, _NCHP)], nbidx_v)

    for c in range(_UC):
        pltpu.async_copy(table_hbm.at[uidx_v.at[c]],
                         urows_v.at[pl.ds(c * _CH, _CH)], sem_u).wait()

    def _fire(c, carry):
        pltpu.async_copy(table_hbm.at[nbidx_v.at[c]],
                         nbrows_v.at[pl.ds(c * _CH, _CH)], sem_nb).wait()
        return carry
    lax.fori_loop(0, _NCH, _fire, 0)

    def _one(b, carry):
        s = nbrows_v[b * _L, :]
        for l in range(1, _L):
            s = s + nbrows_v[b * _L + l, :]
        p = s * urows_v[b, :]
        psum_v[b >> 3, pl.ds((b & 7) * _KP, _KP)] = p
        return carry
    lax.fori_loop(0, _BC, _one, 0)

    pltpu.sync_copy(psum_v, psum_hbm.at[pl.ds(wid * _PRT, _PRT)])


_BS = 256


def _tc_body(psum_ref, out_ref):
    rows = lax.broadcasted_iota(jnp.int32, (128, 8), 0)
    cols = lax.broadcasted_iota(jnp.int32, (128, 8), 1)
    bd = (rows // 16 == cols).astype(jnp.float32)
    out_ref[...] = jnp.dot(psum_ref[...], bd,
                           preferred_element_type=jnp.float32,
                           precision=lax.Precision.HIGHEST)


_tc_reduce = pl.pallas_call(
    _tc_body,
    grid=(_PR // _BS,),
    in_specs=[pl.BlockSpec((_BS, 128), lambda i: (i, 0))],
    out_specs=pl.BlockSpec((_BS, 8), lambda i: (i, 0)),
    out_shape=jax.ShapeDtypeStruct((_PR, 8), jnp.float32),
)


@jax.jit
def kernel(user, nearby, table):
    t16 = jnp.pad(table, ((0, _NROWS - table.shape[0]), (0, _KP - _K)))

    u32 = user.astype(jnp.int32)
    nb32 = nearby.astype(jnp.int32)
    u32 = jnp.where(u32 == 0, _ZROW, u32)
    nb32 = jnp.where(nb32 == 0, _ZROW, nb32)

    uidx = u32.reshape(_NW, _UC, _CH)
    uidx = jnp.pad(uidx, ((0, 0), (0, _UCP - _UC), (0, 0)))
    uidx = uidx.reshape(_NW * _UCP, _CH)

    nbidx = nb32.reshape(_NW, _NCH, _CH)
    nbidx = jnp.pad(nbidx, ((0, 0), (0, _NCHP - _NCH), (0, 0)))
    nbidx = nbidx.reshape(_NW * _NCHP, _CH)

    psum = _place_sc(uidx, nbidx, t16)
    return _tc_reduce(psum).reshape(_B)

# --- scband reference (transcript-rebuilt; emitter-appended) ---
"""Pipeline reference for scband-place-model-11149735100643 (READ-ONLY COPY).

The authoritative reference and input builder live on the scoring server;
editing this copy changes nothing except your own understanding.
"""

import jax, jax.numpy as jnp
import numpy as np

NUM_EMB = 1000001
K = 10
B = 16384
L = 9


def setup_inputs(seed: int = 0) -> dict:
    key = jax.random.key(seed)
    k1, k2, k3 = jax.random.split(key, 3)
    # Learned parameter: user/place embedding table (nn.Embedding(max_u+1, K))
    table = jax.random.normal(k1, (NUM_EMB, K), dtype=jnp.float32)
    user = jax.random.randint(k2, (B,), 0, NUM_EMB)
    nearby = jax.random.randint(k3, (B, L), 0, NUM_EMB)
    return {"user": user, "nearby": nearby, "table": table}


def reference(user, nearby, table):
    # forward zeroes out row 0 of the embedding table before lookup
    table = table.at[0].set(0.0)
    u = jnp.take(table, user, axis=0)            # [B, K]
    nb = jnp.take(table, nearby, axis=0)         # [B, L, K]
    nb_sum = nb.sum(axis=1)                      # [B, K]
    preds = (u * nb_sum).sum(axis=1)             # [B]
    return preds

if __name__ == "__main__":
    import jax
    _d = setup_inputs()
    print(jax.jit(kernel)(*tuple(_d.values())))

</pallas_src>

<mosaic_0001>
#map = affine_map<(d0, d1) -> (0, 0)>
module attributes {stable_mosaic.version = 14 : i64} {
  func.func @_place_sc(%arg0: i32, %arg1: i32, %arg2: memref<256x128xi32, #tpu.memory_space<hbm>>, %arg3: memref<1280x128xi32, #tpu.memory_space<hbm>>, %arg4: memref<1000064x16xf32, #tpu.memory_space<hbm>>, %arg5: memref<2048x128xf32, #tpu.memory_space<hbm>>, %arg6: memref<8x128xi32, #tpu.memory_space<vmem>>, %arg7: memref<40x128xi32, #tpu.memory_space<vmem>>, %arg8: memref<512x16xf32, #tpu.memory_space<vmem>>, %arg9: memref<4608x16xf32, #tpu.memory_space<vmem>>, %arg10: memref<64x128xf32, #tpu.memory_space<vmem>>, %arg11: memref<!tpu.dma_semaphore, #tpu.memory_space<semaphore_mem>>, %arg12: memref<!tpu.dma_semaphore, #tpu.memory_space<semaphore_mem>>) attributes {dimension_semantics = [#tpu.dimension_semantics<core_parallel>, #tpu.dimension_semantics<subcore_parallel>], iteration_bounds = array<i64: 2, 16>, scalar_prefetch = 0 : i64, scratch_operands = 7 : i64, tpu.core_type = #tpu.core_type<sc_vector_subcore>, window_params = [{transform_indices = #map}, {transform_indices = #map}, {transform_indices = #map}, {transform_indices = #map}]} {
    %mul3A = arith.constant 2 : i32
    %mul3A_0 = arith.muli %arg1, %mul3A : i32
    %add3A = arith.addi %mul3A_0, %arg0 : i32
    %mul3A_1 = arith.constant 8 : i32
    %mul3A_2 = arith.muli %add3A, %mul3A_1 : i32
    "tpu.region"() ({
      %run_scoped3A = tpu.sem_alloc : memref<!tpu.dma_semaphore, #tpu.memory_space<semaphore_mem>>
      %dma_start3A_96 = arith.constant 0 : i32
      %dma_start3A_97 = tpu.memref_slice %arg2[%mul3A_2, %dma_start3A_96] : memref<256x128xi32, #tpu.memory_space<hbm>> -> memref<8x128xi32, #tpu.memory_space<hbm>>
      %dma_start3A_98 = arith.constant 0 : i32
      %dma_start3A_99 = tpu.memref_slice %arg2[%mul3A_2, %dma_start3A_98] : memref<256x128xi32, #tpu.memory_space<hbm>> -> memref<8x128xi32, #tpu.memory_space<hbm>>
      tpu.enqueue_dma source(%dma_start3A_99 : memref<8x128xi32, #tpu.memory_space<hbm>>) target(%arg6 : memref<8x128xi32, #tpu.memory_space<vmem>>) target_semaphore(%run_scoped3A : memref<!tpu.dma_semaphore, #tpu.memory_space<semaphore_mem>>)
      %dma_wait3A_100 = arith.constant 0 : i32
      %dma_wait3A_101 = tpu.memref_slice %arg2[%mul3A_2, %dma_wait3A_100] : memref<256x128xi32, #tpu.memory_space<hbm>> -> memref<8x128xi32, #tpu.memory_space<hbm>>
      %dma_wait3A_102 = arith.constant 0 : i32
      %dma_wait3A_103 = tpu.memref_slice %arg2[%mul3A_2, %dma_wait3A_102] : memref<256x128xi32, #tpu.memory_space<hbm>> -> memref<8x128xi32, #tpu.memory_space<hbm>>
      tpu.wait_dma2 semaphore(%run_scoped3A : memref<!tpu.dma_semaphore, #tpu.memory_space<semaphore_mem>>) src(%dma_wait3A_103 : memref<8x128xi32, #tpu.memory_space<hbm>>) dst(%arg6 : memref<8x128xi32, #tpu.memory_space<vmem>>)
      tpu.yield
    }) : () -> ()
    %mul3A_3 = arith.constant 40 : i32
    %mul3A_4 = arith.muli %add3A, %mul3A_3 : i32
    "tpu.region"() ({
      %run_scoped3A = tpu.sem_alloc : memref<!tpu.dma_semaphore, #tpu.memory_space<semaphore_mem>>
      %dma_start3A_96 = arith.constant 0 : i32
      %dma_start3A_97 = tpu.memref_slice %arg3[%mul3A_4, %dma_start3A_96] : memref<1280x128xi32, #tpu.memory_space<hbm>> -> memref<40x128xi32, #tpu.memory_space<hbm>>
      %dma_start3A_98 = arith.constant 0 : i32
      %dma_start3A_99 = tpu.memref_slice %arg3[%mul3A_4, %dma_start3A_98] : memref<1280x128xi32, #tpu.memory_space<hbm>> -> memref<40x128xi32, #tpu.memory_space<hbm>>
      tpu.enqueue_dma source(%dma_start3A_99 : memref<40x128xi32, #tpu.memory_space<hbm>>) target(%arg7 : memref<40x128xi32, #tpu.memory_space<vmem>>) target_semaphore(%run_scoped3A : memref<!tpu.dma_semaphore, #tpu.memory_space<semaphore_mem>>)
      %dma_wait3A_100 = arith.constant 0 : i32
      %dma_wait3A_101 = tpu.memref_slice %arg3[%mul3A_4, %dma_wait3A_100] : memref<1280x128xi32, #tpu.memory_space<hbm>> -> memref<40x128xi32, #tpu.memory_space<hbm>>
      %dma_wait3A_102 = arith.constant 0 : i32
      %dma_wait3A_103 = tpu.memref_slice %arg3[%mul3A_4, %dma_wait3A_102] : memref<1280x128xi32, #tpu.memory_space<hbm>> -> memref<40x128xi32, #tpu.memory_space<hbm>>
      tpu.wait_dma2 semaphore(%run_scoped3A : memref<!tpu.dma_semaphore, #tpu.memory_space<semaphore_mem>>) src(%dma_wait3A_103 : memref<40x128xi32, #tpu.memory_space<hbm>>) dst(%arg7 : memref<40x128xi32, #tpu.memory_space<vmem>>)
      tpu.yield
    }) : () -> ()
    %dma_start3A = arith.constant 0 : i32
    %dma_start3A_5 = arith.constant 0 : i32
    %dma_start3A_6 = arith.constant 0 : i32
    %dma_start3A_7 = tpu.memref_slice %arg8[%dma_start3A_5, %dma_start3A_6] : memref<512x16xf32, #tpu.memory_space<vmem>> -> memref<128x16xf32, #tpu.memory_space<vmem>>
    %dma_start3A_8 = arith.constant 0 : i32
    %dma_start3A_9 = tpu.memref_slice %arg6[%dma_start3A, %dma_start3A_8] : memref<8x128xi32, #tpu.memory_space<vmem>> -> memref<1x128xi32, #tpu.memory_space<vmem>>
    %dma_start3A_10 = tpu.memref_squeeze %dma_start3A_9 : memref<1x128xi32, #tpu.memory_space<vmem>> -> memref<128xi32, #tpu.memory_space<vmem>>
    %dma_start3A_11 = arith.constant 0 : i32
    %dma_start3A_12 = arith.constant 0 : i32
    %dma_start3A_13 = tpu.memref_slice %arg4[%dma_start3A_11, %dma_start3A_12] : memref<1000064x16xf32, #tpu.memory_space<hbm>> -> memref<1000064x16xf32, #tpu.memory_space<hbm>>
    tpu.enqueue_indirect_dma source(%dma_start3A_13 : memref<1000064x16xf32, #tpu.memory_space<hbm>>) target(%dma_start3A_7 : memref<128x16xf32, #tpu.memory_space<vmem>>) offsets(%dma_start3A_10 : memref<128xi32, #tpu.memory_space<vmem>>) semaphore(%arg11 : memref<!tpu.dma_semaphore, #tpu.memory_space<semaphore_mem>>)
    %dma_wait3A = arith.constant 0 : i32
    %dma_wait3A_14 = arith.constant 0 : i32
    %dma_wait3A_15 = arith.constant 0 : i32
    %dma_wait3A_16 = tpu.memref_slice %arg8[%dma_wait3A_14, %dma_wait3A_15] : memref<512x16xf32, #tpu.memory_space<vmem>> -> memref<128x16xf32, #tpu.memory_space<vmem>>
    %dma_wait3A_17 = arith.constant 0 : i32
    %dma_wait3A_18 = tpu.memref_slice %arg6[%dma_wait3A, %dma_wait3A_17] : memref<8x128xi32, #tpu.memory_space<vmem>> -> memref<1x128xi32, #tpu.memory_space<vmem>>
    %dma_wait3A_19 = tpu.memref_squeeze %dma_wait3A_18 : memref<1x128xi32, #tpu.memory_space<vmem>> -> memref<128xi32, #tpu.memory_space<vmem>>
    %dma_wait3A_20 = arith.constant 0 : i32
    %dma_wait3A_21 = arith.constant 0 : i32
    %dma_wait3A_22 = tpu.memref_slice %arg4[%dma_wait3A_20, %dma_wait3A_21] : memref<1000064x16xf32, #tpu.memory_space<hbm>> -> memref<1000064x16xf32, #tpu.memory_space<hbm>>
    tpu.wait_indirect_dma semaphore(%arg11 : memref<!tpu.dma_semaphore, #tpu.memory_space<semaphore_mem>>) src(%dma_wait3A_22 : memref<1000064x16xf32, #tpu.memory_space<hbm>>) dst(%dma_wait3A_16 : memref<128x16xf32, #tpu.memory_space<vmem>>)
    %dma_start3A_23 = arith.constant 1 : i32
    %dma_start3A_24 = arith.constant 128 : i32
    %dma_start3A_25 = arith.constant 0 : i32
    %dma_start3A_26 = tpu.memref_slice %arg8[%dma_start3A_24, %dma_start3A_25] : memref<512x16xf32, #tpu.memory_space<vmem>> -> memref<128x16xf32, #tpu.memory_space<vmem>>
    %dma_start3A_27 = arith.constant 0 : i32
    %dma_start3A_28 = tpu.memref_slice %arg6[%dma_start3A_23, %dma_start3A_27] : memref<8x128xi32, #tpu.memory_space<vmem>> -> memref<1x128xi32, #tpu.memory_space<vmem>>
    %dma_start3A_29 = tpu.memref_squeeze %dma_start3A_28 : memref<1x128xi32, #tpu.memory_space<vmem>> -> memref<128xi32, #tpu.memory_space<vmem>>
    %dma_start3A_30 = arith.constant 0 : i32
    %dma_start3A_31 = arith.constant 0 : i32
    %dma_start3A_32 = tpu.memref_slice %arg4[%dma_start3A_30, %dma_start3A_31] : memref<1000064x16xf32, #tpu.memory_space<hbm>> -> memref<1000064x16xf32, #tpu.memory_space<hbm>>
    tpu.enqueue_indirect_dma source(%dma_start3A_32 : memref<1000064x16xf32, #tpu.memory_space<hbm>>) target(%dma_start3A_26 : memref<128x16xf32, #tpu.memory_space<vmem>>) offsets(%dma_start3A_29 : memref<128xi32, #tpu.memory_space<vmem>>) semaphore(%arg11 : memref<!tpu.dma_semaphore, #tpu.memory_space<semaphore_mem>>)
    %dma_wait3A_33 = arith.constant 1 : i32
    %dma_wait3A_34 = arith.constant 128 : i32
    %dma_wait3A_35 = arith.constant 0 : i32
    %dma_wait3A_36 = tpu.memref_slice %arg8[%dma_wait3A_34, %dma_wait3A_35] : memref<512x16xf32, #tpu.memory_space<vmem>> -> memref<128x16xf32, #tpu.memory_space<vmem>>
    %dma_wait3A_37 = arith.constant 0 : i32
    %dma_wait3A_38 = tpu.memref_slice %arg6[%dma_wait3A_33, %dma_wait3A_37] : memref<8x128xi32, #tpu.memory_space<vmem>> -> memref<1x128xi32, #tpu.memory_space<vmem>>
    %dma_wait3A_39 = tpu.memref_squeeze %dma_wait3A_38 : memref<1x128xi32, #tpu.memory_space<vmem>> -> memref<128xi32, #tpu.memory_space<vmem>>
    %dma_wait3A_40 = arith.constant 0 : i32
    %dma_wait3A_41 = arith.constant 0 : i32
    %dma_wait3A_42 = tpu.memref_slice %arg4[%dma_wait3A_40, %dma_wait3A_41] : memref<1000064x16xf32, #tpu.memory_space<hbm>> -> memref<1000064x16xf32, #tpu.memory_space<hbm>>
    tpu.wait_indirect_dma semaphore(%arg11 : memref<!tpu.dma_semaphore, #tpu.memory_space<semaphore_mem>>) src(%dma_wait3A_42 : memref<1000064x16xf32, #tpu.memory_space<hbm>>) dst(%dma_wait3A_36 : memref<128x16xf32, #tpu.memory_space<vmem>>)
    %dma_start3A_43 = arith.constant 2 : i32
    %dma_start3A_44 = arith.constant 256 : i32
    %dma_start3A_45 = arith.constant 0 : i32
    %dma_start3A_46 = tpu.memref_slice %arg8[%dma_start3A_44, %dma_start3A_45] : memref<512x16xf32, #tpu.memory_space<vmem>> -> memref<128x16xf32, #tpu.memory_space<vmem>>
    %dma_start3A_47 = arith.constant 0 : i32
    %dma_start3A_48 = tpu.memref_slice %arg6[%dma_start3A_43, %dma_start3A_47] : memref<8x128xi32, #tpu.memory_space<vmem>> -> memref<1x128xi32, #tpu.memory_space<vmem>>
    %dma_start3A_49 = tpu.memref_squeeze %dma_start3A_48 : memref<1x128xi32, #tpu.memory_space<vmem>> -> memref<128xi32, #tpu.memory_space<vmem>>
    %dma_start3A_50 = arith.constant 0 : i32
    %dma_start3A_51 = arith.constant 0 : i32
    %dma_start3A_52 = tpu.memref_slice %arg4[%dma_start3A_50, %dma_start3A_51] : memref<1000064x16xf32, #tpu.memory_space<hbm>> -> memref<1000064x16xf32, #tpu.memory_space<hbm>>
    tpu.enqueue_indirect_dma source(%dma_start3A_52 : memref<1000064x16xf32, #tpu.memory_space<hbm>>) target(%dma_start3A_46 : memref<128x16xf32, #tpu.memory_space<vmem>>) offsets(%dma_start3A_49 : memref<128xi32, #tpu.memory_space<vmem>>) semaphore(%arg11 : memref<!tpu.dma_semaphore, #tpu.memory_space<semaphore_mem>>)
    %dma_wait3A_53 = arith.constant 2 : i32
    %dma_wait3A_54 = arith.constant 256 : i32
    %dma_wait3A_55 = arith.constant 0 : i32
    %dma_wait3A_56 = tpu.memref_slice %arg8[%dma_wait3A_54, %dma_wait3A_55] : memref<512x16xf32, #tpu.memory_space<vmem>> -> memref<128x16xf32, #tpu.memory_space<vmem>>
    %dma_wait3A_57 = arith.constant 0 : i32
    %dma_wait3A_58 = tpu.memref_slice %arg6[%dma_wait3A_53, %dma_wait3A_57] : memref<8x128xi32, #tpu.memory_space<vmem>> -> memref<1x128xi32, #tpu.memory_space<vmem>>
    %dma_wait3A_59 = tpu.memref_squeeze %dma_wait3A_58 : memref<1x128xi32, #tpu.memory_space<vmem>> -> memref<128xi32, #tpu.memory_space<vmem>>
    %dma_wait3A_60 = arith.constant 0 : i32
    %dma_wait3A_61 = arith.constant 0 : i32
    %dma_wait3A_62 = tpu.memref_slice %arg4[%dma_wait3A_60, %dma_wait3A_61] : memref<1000064x16xf32, #tpu.memory_space<hbm>> -> memref<1000064x16xf32, #tpu.memory_space<hbm>>
    tpu.wait_indirect_dma semaphore(%arg11 : memref<!tpu.dma_semaphore, #tpu.memory_space<semaphore_mem>>) src(%dma_wait3A_62 : memref<1000064x16xf32, #tpu.memory_space<hbm>>) dst(%dma_wait3A_56 : memref<128x16xf32, #tpu.memory_space<vmem>>)
    %dma_start3A_63 = arith.constant 3 : i32
    %dma_start3A_64 = arith.constant 384 : i32
    %dma_start3A_65 = arith.constant 0 : i32
    %dma_start3A_66 = tpu.memref_slice %arg8[%dma_start3A_64, %dma_start3A_65] : memref<512x16xf32, #tpu.memory_space<vmem>> -> memref<128x16xf32, #tpu.memory_space<vmem>>
    %dma_start3A_67 = arith.constant 0 : i32
    %dma_start3A_68 = tpu.memref_slice %arg6[%dma_start3A_63, %dma_start3A_67] : memref<8x128xi32, #tpu.memory_space<vmem>> -> memref<1x128xi32, #tpu.memory_space<vmem>>
    %dma_start3A_69 = tpu.memref_squeeze %dma_start3A_68 : memref<1x128xi32, #tpu.memory_space<vmem>> -> memref<128xi32, #tpu.memory_space<vmem>>
    %dma_start3A_70 = arith.constant 0 : i32
    %dma_start3A_71 = arith.constant 0 : i32
    %dma_start3A_72 = tpu.memref_slice %arg4[%dma_start3A_70, %dma_start3A_71] : memref<1000064x16xf32, #tpu.memory_space<hbm>> -> memref<1000064x16xf32, #tpu.memory_space<hbm>>
    tpu.enqueue_indirect_dma source(%dma_start3A_72 : memref<1000064x16xf32, #tpu.memory_space<hbm>>) target(%dma_start3A_66 : memref<128x16xf32, #tpu.memory_space<vmem>>) offsets(%dma_start3A_69 : memref<128xi32, #tpu.memory_space<vmem>>) semaphore(%arg11 : memref<!tpu.dma_semaphore, #tpu.memory_space<semaphore_mem>>)
    %dma_wait3A_73 = arith.constant 3 : i32
    %dma_wait3A_74 = arith.constant 384 : i32
    %dma_wait3A_75 = arith.constant 0 : i32
    %dma_wait3A_76 = tpu.memref_slice %arg8[%dma_wait3A_74, %dma_wait3A_75] : memref<512x16xf32, #tpu.memory_space<vmem>> -> memref<128x16xf32, #tpu.memory_space<vmem>>
    %dma_wait3A_77 = arith.constant 0 : i32
    %dma_wait3A_78 = tpu.memref_slice %arg6[%dma_wait3A_73, %dma_wait3A_77] : memref<8x128xi32, #tpu.memory_space<vmem>> -> memref<1x128xi32, #tpu.memory_space<vmem>>
    %dma_wait3A_79 = tpu.memref_squeeze %dma_wait3A_78 : memref<1x128xi32, #tpu.memory_space<vmem>> -> memref<128xi32, #tpu.memory_space<vmem>>
    %dma_wait3A_80 = arith.constant 0 : i32
    %dma_wait3A_81 = arith.constant 0 : i32
    %dma_wait3A_82 = tpu.memref_slice %arg4[%dma_wait3A_80, %dma_wait3A_81] : memref<1000064x16xf32, #tpu.memory_space<hbm>> -> memref<1000064x16xf32, #tpu.memory_space<hbm>>
    tpu.wait_indirect_dma semaphore(%arg11 : memref<!tpu.dma_semaphore, #tpu.memory_space<semaphore_mem>>) src(%dma_wait3A_82 : memref<1000064x16xf32, #tpu.memory_space<hbm>>) dst(%dma_wait3A_76 : memref<128x16xf32, #tpu.memory_space<vmem>>)
    %scan3A = arith.constant 0 : i32
    %scan3A_83 = arith.constant 0 : i32
    %scan3A_84 = arith.constant 36 : i32
    %scan3A_85 = arith.addi %scan3A_83, %scan3A_84 : i32
    %scan3A_86 = arith.constant 1 : i32
    scf.for %scan3A_96 = %scan3A_83 to %scan3A_85 step %scan3A_86  : i32 {
      %mul3A_97 = arith.constant 128 : i32
      %mul3A_98 = arith.muli %scan3A_96, %mul3A_97 : i32
      %dma_start3A_99 = arith.constant 0 : i32
      %dma_start3A_100 = tpu.memref_slice %arg9[%mul3A_98, %dma_start3A_99] : memref<4608x16xf32, #tpu.memory_space<vmem>> -> memref<128x16xf32, #tpu.memory_space<vmem>>
      %dma_start3A_101 = arith.constant 0 : i32
      %dma_start3A_102 = tpu.memref_slice %arg7[%scan3A_96, %dma_start3A_101] : memref<40x128xi32, #tpu.memory_space<vmem>> -> memref<1x128xi32, #tpu.memory_space<vmem>>
      %dma_start3A_103 = tpu.memref_squeeze %dma_start3A_102 : memref<1x128xi32, #tpu.memory_space<vmem>> -> memref<128xi32, #tpu.memory_space<vmem>>
      %dma_start3A_104 = arith.constant 0 : i32
      %dma_start3A_105 = arith.constant 0 : i32
      %dma_start3A_106 = tpu.memref_slice %arg4[%dma_start3A_104, %dma_start3A_105] : memref<1000064x16xf32, #tpu.memory_space<hbm>> -> memref<1000064x16xf32, #tpu.memory_space<hbm>>
      tpu.enqueue_indirect_dma source(%dma_start3A_106 : memref<1000064x16xf32, #tpu.memory_space<hbm>>) target(%dma_start3A_100 : memref<128x16xf32, #tpu.memory_space<vmem>>) offsets(%dma_start3A_103 : memref<128xi32, #tpu.memory_space<vmem>>) semaphore(%arg12 : memref<!tpu.dma_semaphore, #tpu.memory_space<semaphore_mem>>)
      %dma_wait3A_107 = arith.constant 0 : i32
      %dma_wait3A_108 = tpu.memref_slice %arg9[%mul3A_98, %dma_wait3A_107] : memref<4608x16xf32, #tpu.memory_space<vmem>> -> memref<128x16xf32, #tpu.memory_space<vmem>>
      %dma_wait3A_109 = arith.constant 0 : i32
      %dma_wait3A_110 = tpu.memref_slice %arg7[%scan3A_96, %dma_wait3A_109] : memref<40x128xi32, #tpu.memory_space<vmem>> -> memref<1x128xi32, #tpu.memory_space<vmem>>
      %dma_wait3A_111 = tpu.memref_squeeze %dma_wait3A_110 : memref<1x128xi32, #tpu.memory_space<vmem>> -> memref<128xi32, #tpu.memory_space<vmem>>
      %dma_wait3A_112 = arith.constant 0 : i32
      %dma_wait3A_113 = arith.constant 0 : i32
      %dma_wait3A_114 = tpu.memref_slice %arg4[%dma_wait3A_112, %dma_wait3A_113] : memref<1000064x16xf32, #tpu.memory_space<hbm>> -> memref<1000064x16xf32, #tpu.memory_space<hbm>>
      tpu.wait_indirect_dma semaphore(%arg12 : memref<!tpu.dma_semaphore, #tpu.memory_space<semaphore_mem>>) src(%dma_wait3A_114 : memref<1000064x16xf32, #tpu.memory_space<hbm>>) dst(%dma_wait3A_108 : memref<128x16xf32, #tpu.memory_space<vmem>>)
    }
    %scan3A_87 = arith.constant 36 : i32
    %scan3A_88 = arith.constant 0 : i32
    %scan3A_89 = arith.constant 0 : i32
    %scan3A_90 = arith.constant 512 : i32
    %scan3A_91 = arith.addi %scan3A_89, %scan3A_90 : i32
    %scan3A_92 = arith.constant 1 : i32
    scf.for %scan3A_96 = %scan3A_89 to %scan3A_91 step %scan3A_92  : i32 {
      %mul3A_97 = arith.constant 9 : i32
      %mul3A_98 = arith.muli %scan3A_96, %mul3A_97 : i32
      %get3A = arith.index_cast %mul3A_98 : i32 to index
      %get3A_99 = arith.constant 0 : index
      %get3A_100 = tpu.vector_load %arg9[%get3A, %get3A_99] {strides = array<i32>} : memref<4608x16xf32, #tpu.memory_space<vmem>>, vector<1x16xf32>,
      %get3A_101 = vector.shape_cast %get3A_100 : vector<1x16xf32> to vector<16xf32>
      %mul3A_102 = arith.constant 9 : i32
      %mul3A_103 = arith.muli %scan3A_96, %mul3A_102 : i32
      %add3A_104 = arith.constant 1 : i32
      %add3A_105 = arith.addi %mul3A_103, %add3A_104 : i32
      %get3A_106 = arith.index_cast %add3A_105 : i32 to index
      %get3A_107 = arith.constant 0 : index
      %get3A_108 = tpu.vector_load %arg9[%get3A_106, %get3A_107] {strides = array<i32>} : memref<4608x16xf32, #tpu.memory_space<vmem>>, vector<1x16xf32>,
      %get3A_109 = vector.shape_cast %get3A_108 : vector<1x16xf32> to vector<16xf32>
      %add3A_110 = arith.addf %get3A_101, %get3A_109 : vector<16xf32>
      %mul3A_111 = arith.constant 9 : i32
      %mul3A_112 = arith.muli %scan3A_96, %mul3A_111 : i32
      %add3A_113 = arith.constant 2 : i32
      %add3A_114 = arith.addi %mul3A_112, %add3A_113 : i32
      %get3A_115 = arith.index_cast %add3A_114 : i32 to index
      %get3A_116 = arith.constant 0 : index
      %get3A_117 = tpu.vector_load %arg9[%get3A_115, %get3A_116] {strides = array<i32>} : memref<4608x16xf32, #tpu.memory_space<vmem>>, vector<1x16xf32>,
      %get3A_118 = vector.shape_cast %get3A_117 : vector<1x16xf32> to vector<16xf32>
      %add3A_119 = arith.addf %add3A_110, %get3A_118 : vector<16xf32>
      %mul3A_120 = arith.constant 9 : i32
      %mul3A_121 = arith.muli %scan3A_96, %mul3A_120 : i32
      %add3A_122 = arith.constant 3 : i32
      %add3A_123 = arith.addi %mul3A_121, %add3A_122 : i32
      %get3A_124 = arith.index_cast %add3A_123 : i32 to index
      %get3A_125 = arith.constant 0 : index
      %get3A_126 = tpu.vector_load %arg9[%get3A_124, %get3A_125] {strides = array<i32>} : memref<4608x16xf32, #tpu.memory_space<vmem>>, vector<1x16xf32>,
      %get3A_127 = vector.shape_cast %get3A_126 : vector<1x16xf32> to vector<16xf32>
      %add3A_128 = arith.addf %add3A_119, %get3A_127 : vector<16xf32>
      %mul3A_129 = arith.constant 9 : i32
      %mul3A_130 = arith.muli %scan3A_96, %mul3A_129 : i32
      %add3A_131 = arith.constant 4 : i32
      %add3A_132 = arith.addi %mul3A_130, %add3A_131 : i32
      %get3A_133 = arith.index_cast %add3A_132 : i32 to index
      %get3A_134 = arith.constant 0 : index
      %get3A_135 = tpu.vector_load %arg9[%get3A_133, %get3A_134] {strides = array<i32>} : memref<4608x16xf32, #tpu.memory_space<vmem>>, vector<1x16xf32>,
      %get3A_136 = vector.shape_cast %get3A_135 : vector<1x16xf32> to vector<16xf32>
      %add3A_137 = arith.addf %add3A_128, %get3A_136 : vector<16xf32>
      %mul3A_138 = arith.constant 9 : i32
      %mul3A_139 = arith.muli %scan3A_96, %mul3A_138 : i32
      %add3A_140 = arith.constant 5 : i32
      %add3A_141 = arith.addi %mul3A_139, %add3A_140 : i32
      %get3A_142 = arith.index_cast %add3A_141 : i32 to index
      %get3A_143 = arith.constant 0 : index
      %get3A_144 = tpu.vector_load %arg9[%get3A_142, %get3A_143] {strides = array<i32>} : memref<4608x16xf32, #tpu.memory_space<vmem>>, vector<1x16xf32>,
      %get3A_145 = vector.shape_cast %get3A_144 : vector<1x16xf32> to vector<16xf32>
      %add3A_146 = arith.addf %add3A_137, %get3A_145 : vector<16xf32>
      %mul3A_147 = arith.constant 9 : i32
      %mul3A_148 = arith.muli %scan3A_96, %mul3A_147 : i32
      %add3A_149 = arith.constant 6 : i32
      %add3A_150 = arith.addi %mul3A_148, %add3A_149 : i32
      %get3A_151 = arith.index_cast %add3A_150 : i32 to index
      %get3A_152 = arith.constant 0 : index
      %get3A_153 = tpu.vector_load %arg9[%get3A_151, %get3A_152] {strides = array<i32>} : memref<4608x16xf32, #tpu.memory_space<vmem>>, vector<1x16xf32>,
      %get3A_154 = vector.shape_cast %get3A_153 : vector<1x16xf32> to vector<16xf32>
      %add3A_155 = arith.addf %add3A_146, %get3A_154 : vector<16xf32>
      %mul3A_156 = arith.constant 9 : i32
      %mul3A_157 = arith.muli %scan3A_96, %mul3A_156 : i32
      %add3A_158 = arith.constant 7 : i32
      %add3A_159 = arith.addi %mul3A_157, %add3A_158 : i32
      %get3A_160 = arith.index_cast %add3A_159 : i32 to index
      %get3A_161 = arith.constant 0 : index
      %get3A_162 = tpu.vector_load %arg9[%get3A_160, %get3A_161] {strides = array<i32>} : memref<4608x16xf32, #tpu.memory_space<vmem>>, vector<1x16xf32>,
      %get3A_163 = vector.shape_cast %get3A_162 : vector<1x16xf32> to vector<16xf32>
      %add3A_164 = arith.addf %add3A_155, %get3A_163 : vector<16xf32>
      %mul3A_165 = arith.constant 9 : i32
      %mul3A_166 = arith.muli %scan3A_96, %mul3A_165 : i32
      %add3A_167 = arith.constant 8 : i32
      %add3A_168 = arith.addi %mul3A_166, %add3A_167 : i32
      %get3A_169 = arith.index_cast %add3A_168 : i32 to index
      %get3A_170 = arith.constant 0 : index
      %get3A_171 = tpu.vector_load %arg9[%get3A_169, %get3A_170] {strides = array<i32>} : memref<4608x16xf32, #tpu.memory_space<vmem>>, vector<1x16xf32>,
      %get3A_172 = vector.shape_cast %get3A_171 : vector<1x16xf32> to vector<16xf32>
      %add3A_173 = arith.addf %add3A_164, %get3A_172 : vector<16xf32>
      %get3A_174 = arith.index_cast %scan3A_96 : i32 to index
      %get3A_175 = arith.constant 0 : index
      %get3A_176 = tpu.vector_load %arg8[%get3A_174, %get3A_175] {strides = array<i32>} : memref<512x16xf32, #tpu.memory_space<vmem>>, vector<1x16xf32>,
      %get3A_177 = vector.shape_cast %get3A_176 : vector<1x16xf32> to vector<16xf32>
      %mul3A_178 = arith.mulf %add3A_173, %get3A_177 : vector<16xf32>
      %shift_right_arithmetic3A = arith.constant 3 : i32
      %shift_right_arithmetic3A_179 = arith.shrsi %scan3A_96, %shift_right_arithmetic3A : i32
      %and3A = arith.constant 7 : i32
      %and3A_180 = arith.andi %scan3A_96, %and3A : i32
      %mul3A_181 = arith.constant 16 : i32
      %mul3A_182 = arith.muli %and3A_180, %mul3A_181 : i32
      %swap3A = arith.index_cast %shift_right_arithmetic3A_179 : i32 to index
      %swap3A_183 = arith.index_cast %mul3A_182 : i32 to index
      %swap3A_184 = tpu.vector_load %arg10[%swap3A, %swap3A_183] {strides = array<i32>} : memref<64x128xf32, #tpu.memory_space<vmem>>, vector<1x16xf32>,
      %swap3A_185 = vector.shape_cast %swap3A_184 : vector<1x16xf32> to vector<16xf32>
      %swap3A_186 = vector.shape_cast %mul3A_178 : vector<16xf32> to vector<1x16xf32>
      tpu.vector_store %arg10[%swap3A, %swap3A_183], %swap3A_186 {strides = array<i32>} : memref<64x128xf32, #tpu.memory_space<vmem>>, vector<1x16xf32>,
    }
    %scan3A_93 = arith.constant 512 : i32
    %mul3A_94 = arith.constant 64 : i32
    %mul3A_95 = arith.muli %add3A, %mul3A_94 : i32
    "tpu.region"() ({
      %run_scoped3A = tpu.sem_alloc : memref<!tpu.dma_semaphore, #tpu.memory_space<semaphore_mem>>
      %dma_start3A_96 = arith.constant 0 : i32
      %dma_start3A_97 = tpu.memref_slice %arg5[%mul3A_95, %dma_start3A_96] : memref<2048x128xf32, #tpu.memory_space<hbm>> -> memref<64x128xf32, #tpu.memory_space<hbm>>
      %dma_start3A_98 = arith.constant 0 : i32
      %dma_start3A_99 = tpu.memref_slice %arg5[%mul3A_95, %dma_start3A_98] : memref<2048x128xf32, #tpu.memory_space<hbm>> -> memref<64x128xf32, #tpu.memory_space<hbm>>
      tpu.enqueue_dma source(%arg10 : memref<64x128xf32, #tpu.memory_space<vmem>>) target(%dma_start3A_99 : memref<64x128xf32, #tpu.memory_space<hbm>>) target_semaphore(%run_scoped3A : memref<!tpu.dma_semaphore, #tpu.memory_space<semaphore_mem>>)
      %dma_wait3A_100 = arith.constant 0 : i32
      %dma_wait3A_101 = tpu.memref_slice %arg5[%mul3A_95, %dma_wait3A_100] : memref<2048x128xf32, #tpu.memory_space<hbm>> -> memref<64x128xf32, #tpu.memory_space<hbm>>
      %dma_wait3A_102 = arith.constant 0 : i32
      %dma_wait3A_103 = tpu.memref_slice %arg5[%mul3A_95, %dma_wait3A_102] : memref<2048x128xf32, #tpu.memory_space<hbm>> -> memref<64x128xf32, #tpu.memory_space<hbm>>
      tpu.wait_dma2 semaphore(%run_scoped3A : memref<!tpu.dma_semaphore, #tpu.memory_space<semaphore_mem>>) src(%arg10 : memref<64x128xf32, #tpu.memory_space<vmem>>) dst(%dma_wait3A_103 : memref<64x128xf32, #tpu.memory_space<hbm>>)
      tpu.yield
    }) : () -> ()
    return
  }
}

module attributes {stable_mosaic.version = 14 : i64} {
  func.func @_tc_body(%arg0: i32, %arg1: memref<256x128xf32, #tpu.memory_space<vmem>>, %arg2: memref<256x8xf32, #tpu.memory_space<vmem>>) attributes {dimension_semantics = [#tpu.dimension_semantics<arbitrary>], iteration_bounds = array<i64: 8>, scalar_prefetch = 0 : i64, scratch_operands = 0 : i64, tpu.core_type = #tpu.core_type<tc>, window_params = [{transform_indices = @transform_0, window_bounds = array<i64: 256, 128>}, {transform_indices = @transform_1, window_bounds = array<i64: 256, 8>}]} {
    %iota3A = tpu.iota {dimensions = array<i32: 0>} : vector<128x8xi32>
    %iota3A_0 = tpu.iota {dimensions = array<i32: 1>} : vector<128x8xi32>
    %jit3A = arith.constant 16 : i32
    %div3A = vector.broadcast %jit3A : i32 to vector<128x8xi32>
    %div3A_1 = arith.divsi %iota3A, %div3A : vector<128x8xi32>
    %sign3A = arith.constant 0 : i32
    %sign3A_2 = vector.broadcast %sign3A : i32 to vector<128x8xi32>
    %sign3A_3 = arith.cmpi sgt, %iota3A, %sign3A_2 : vector<128x8xi32>
    %sign3A_4 = arith.extui %sign3A_3 : vector<128x8xi1> to vector<128x8xi32>
    %sign3A_5 = arith.constant 0 : i32
    %sign3A_6 = vector.broadcast %sign3A_5 : i32 to vector<128x8xi32>
    %sign3A_7 = arith.cmpi slt, %iota3A, %sign3A_6 : vector<128x8xi32>
    %sign3A_8 = arith.extui %sign3A_7 : vector<128x8xi1> to vector<128x8xi32>
    %sign3A_9 = arith.subi %sign3A_4, %sign3A_8 : vector<128x8xi32>
    %sign3A_10 = arith.constant 0 : i32
    %sign3A_11 = arith.cmpi sgt, %jit3A, %sign3A_10 : i32
    %sign3A_12 = arith.extui %sign3A_11 : i1 to i32
    %sign3A_13 = arith.constant 0 : i32
    %sign3A_14 = arith.cmpi slt, %jit3A, %sign3A_13 : i32
    %sign3A_15 = arith.extui %sign3A_14 : i1 to i32
    %sign3A_16 = arith.subi %sign3A_12, %sign3A_15 : i32
    %ne3A = vector.broadcast %sign3A_16 : i32 to vector<128x8xi32>
    %ne3A_17 = arith.cmpi ne, %sign3A_9, %ne3A : vector<128x8xi32>
    %rem3A = vector.broadcast %jit3A : i32 to vector<128x8xi32>
    %rem3A_18 = arith.remsi %iota3A, %rem3A : vector<128x8xi32>
    %ne3A_19 = arith.constant 0 : i32
    %ne3A_20 = vector.broadcast %ne3A_19 : i32 to vector<128x8xi32>
    %ne3A_21 = arith.cmpi ne, %rem3A_18, %ne3A_20 : vector<128x8xi32>
    %and3A = arith.andi %ne3A_17, %ne3A_21 : vector<128x8xi1>
    %sub3A = arith.constant 1 : i32
    %sub3A_22 = vector.broadcast %sub3A : i32 to vector<128x8xi32>
    %sub3A_23 = arith.subi %div3A_1, %sub3A_22 : vector<128x8xi32>
    %select_n3A = arith.select %and3A, %sub3A_23, %div3A_1 : vector<128x8xi1>, vector<128x8xi32>
    %eq3A = arith.cmpi eq, %select_n3A, %iota3A_0 : vector<128x8xi32>
    %convert_element_type3A = arith.extui %eq3A : vector<128x8xi1> to vector<128x8xi32>
    %convert_element_type3A_24 = arith.sitofp %convert_element_type3A : vector<128x8xi32> to vector<128x8xf32>
    %get3A = arith.constant 0 : index
    %get3A_25 = arith.constant 0 : index
    %get3A_26 = vector.load %arg1[%get3A, %get3A_25] : memref<256x128xf32, #tpu.memory_space<vmem>>, vector<256x128xf32>
    %dot_general3A = arith.constant dense<0.000000e+00> : vector<256x8xf32>
    %dot_general3A_27 = tpu.matmul %get3A_26, %convert_element_type3A_24, %dot_general3A {dimension_numbers = #tpu.dot_dimension_numbers<[1], [0], [0], [1], [0, 0, 1, 1], [], []>, precision = #tpu.contract_precision<fp32>, transpose_lhs_hint = false} : vector<256x128xf32>, vector<128x8xf32>, vector<256x8xf32> -> vector<256x8xf32>
    %swap3A = arith.constant 0 : index
    %swap3A_28 = arith.constant 0 : index
    %swap3A_29 = vector.load %arg2[%swap3A, %swap3A_28] : memref<256x8xf32, #tpu.memory_space<vmem>>, vector<256x8xf32>
    tpu.vector_store %arg2[%swap3A, %swap3A_28], %dot_general3A_27 {strides = array<i32>} : memref<256x8xf32, #tpu.memory_space<vmem>>, vector<256x8xf32>,
    return
  }
  func.func @transform_0(%arg0: i32) -> (i32, i32) {
    %c0_i32 = arith.constant 0 : i32
    %c0_i32_0 = arith.constant 0 : i32
    return %arg0, %c0_i32 : i32, i32
  }
  func.func @transform_1(%arg0: i32) -> (i32, i32) {
    %c0_i32 = arith.constant 0 : i32
    %c0_i32_0 = arith.constant 0 : i32
    return %arg0, %c0_i32 : i32, i32
  }
}

</mosaic_0001>

<sc_bundles>
// kernel: kernel.4.cloned.1.call-start
scs
__scs_entry_jumppad:
0x0: {  	(pc) =	sbr.rel $0x88, $3  }
0x1: {  	(tag) =	ssettag $0x0;
	lr =	simm.s32 $0x1  }
0x2: {  	[smem:$0x3F9E] =	sst lr;
	_ =	strace $0xD0000000  }
0x3: {  	_ = 	snop  }
0x4: {  	_ = 	snop  }
0x5: {  	_ = 	snop  }
0x6: {  	_ = 	snop  }
0x7: {  	_ = 	snop  }
__scs_overlays_trampoline_lowered:
0x8: {  	[smem:$0x3FAD] =	sst s0  }
0x9: {  	[smem:$0x3FAE] =	sst s1  }
0xa: {  	[smem:$0x3FAF] =	sst s2  }
0xb: {  	[smem:$0x3FB0] =	sst s3  }
0xc: {  	[smem:$0x3FB1] =	sst s4  }
0xd: {  	[smem:$0x3FB2] =	sst s5  }
0xe: {  	[smem:$0x3FB3] =	sst s6  }
0xf: {  	[smem:$0x3FB4] =	sst s7  }
0x10: {  	[smem:$0x3FB5] =	sst s8  }
0x11: {  	[smem:$0x3FB6] =	sst s9;
	s0 =	simm.s32 @!p0 $0x0  }
0x12: {  	s1 =	sld [smem:$0x3F9C];
	s0 =	simm.s32 @p0 $0x1  }
0x13: {  	[smem:$0x3FB7] =	sst s0;
	s0 =	simm.s32 @!p1 $0x0  }
0x14: {  	s2 =	sld [smem:$0x3F9B];
	s0 =	simm.s32 @p1 $0x1  }
0x15: {  	[smem:$0x3FB8] =	sst s0;
	s0 =	simm.s32 @!p2 $0x0  }
0x16: {  	s3 =	sld [smem:$0x3FDB];
	s0 =	simm.s32 @p2 $0x1  }
0x17: {  	s4 =	simm.s32 $0x1BF5;
	[smem:$0x3FBA] =	sst s0  }
0x18: {  	s0 =	sld [smem:$0x3F9D];
	_ =	swait.ge [sflag:s4], $0x0  }
0x19: {  	s7 =	sld [smem:$0x3F9E]  }
0x1a: {  	s8 =	sadd.s32 $0xFFFFE003, lr  }
0x1b: {  	s9 =	sadd.s32 $0xFFFFFEF7, lr;
	s5 =	simm.s32 $0xFFFFFFFF;
	p2 =	slt.u32 s8, $0xFFFFF086  }
0x1c: {  	p1 =	slt.u32 s9, $0xF7A;
	s5 =	simm.s32 @!p2 $0x0  }
0x1d: {  	s5 =	simm.s32 @p1 $0x1;
	p0 =	seq.s32 s7, s2  }
0x1e: {  	s7 =	smul.u32 @!p0 $0xF7A, s2;
	p2 =	seq.s32 @!p0 s5, $0x0  }
0x1f: {  	s9 =	smul.u32 $0xF7A, s1;
	s8 =	simm.s32 @!p0 $0x1BF5;
	p2 =	por !p2, p0  }
0x20: {  	[sflag:s8] =	ssyncset.s32 @!p0 $0xFFFFF086;
	s6 =	sadd.s32 @!p0 s3, s7;
	s7 =	simm.s32 @!p0 $0x108  }
0x21: {  	s3 =	sadd.s32 s3, s9;
	s6 =	sadd.s32 @!p0 $0x88, s6;
	s7 =	simm.s32 @p2 $0x1082  }
0x22: {  	[simem:s7], [sflag:s8] =	dma.local @!p0 [hbm:s6], $0xF7A  }
0x23: {  	s9 =	sor.u32 $0xD0000000, s2;
	s6 =	simm.s32 $0x108;
	_ =	swait.ge @!p0 [sflag:s8], $0x0  }
0x24: {  	s3 =	sadd.s32 $0x88, s3;
	s6 =	simm.s32 @!p1 $0x1082;
	[sflag:s4] =	ssyncset.s32 $0xFFFFF086  }
0x25: {  	[simem:s6], [sflag:s4] =	dma.local [hbm:s3], $0xF7A  }
0x26: {  	[smem:$0x3F9E] =	sst s1;
	(tag) =	ssettag s2;
	_ =	strace s9  }
0x27: {  	s1 =	sld [smem:$0x3FAE]  }
0x28: {  	s2 =	sld [smem:$0x3FAF]  }
0x29: {  	s4 =	sld [smem:$0x3FB1]  }
0x2a: {  	p0 =	seq.s32 s5, $0x0;
	s5 =	sld [smem:$0x3FB2]  }
0x2b: {  	s6 =	sld [smem:$0x3FB3]  }
0x2c: {  	s7 =	sld [smem:$0x3FB4]  }
0x2d: {  	s3 =	simm.s32 $0x108;
	s8 =	sld [smem:$0x3FB5]  }
0x2e: {  	s3 =	simm.s32 @!p0 $0x1082;
	s9 =	sld [smem:$0x3FB6]  }
0x2f: {  	lr =	sadd.s32 s0, s3;
	s0 =	sld [smem:$0x3FAD]  }
0x30: {  	s3 =	sld [smem:$0x3FB0]  }
0x31: {  	[smem:$0x3FB9] =	sst s10  }
0x32: {  	s10 =	sld [smem:$0x3FB7];
	_ =	sdelay $0x3  }
0x33: {  	p0 =	seq.s32 s10, $0x1;
	s10 =	sld [smem:$0x3FB9];
	_ =	sdelay $0x3  }
0x34: {  	[smem:$0x3FB9] =	sst s10  }
0x35: {  	s10 =	sld [smem:$0x3FB8];
	_ =	sdelay $0x3  }
0x36: {  	p1 =	seq.s32 s10, $0x1;
	s10 =	sld [smem:$0x3FB9];
	_ =	sdelay $0x3  }
0x37: {  	[smem:$0x3FB9] =	sst s10  }
0x38: {  	s10 =	sld [smem:$0x3FBA]  }
0x39: {  	_ = 	snop;
	(pc) =	sbr.ind lr, $3  }
0x3a: {  	_ = 	snop  }
0x3b: {  	_ = 	snop  }
0x3c: {  	p2 =	seq.s32 s10, $0x1;
	s10 =	sld [smem:$0x3FB9]  }
0x3d: {  	_ =	shalt  }
0x3e: {  	_ =	shalt  }
0x3f: {  	_ =	shalt  }
0x40: {  	_ =	shalt  }
0x41: {  	_ =	shalt  }
0x42: {  	_ =	shalt  }
0x43: {  	_ =	shalt  }
0x44: {  	_ =	shalt  }
0x45: {  	_ =	shalt  }
0x46: {  	_ =	shalt  }
0x47: {  	_ =	shalt  }
0x48: {  	_ =	shalt  }
0x49: {  	_ =	shalt  }
0x4a: {  	_ =	shalt  }
0x4b: {  	_ =	shalt  }
0x4c: {  	_ =	shalt  }
0x4d: {  	_ =	shalt  }
0x4e: {  	_ =	shalt  }
0x4f: {  	_ =	shalt  }
0x50: {  	_ =	shalt  }
0x51: {  	_ =	shalt  }
0x52: {  	_ =	shalt  }
0x53: {  	_ =	shalt  }
0x54: {  	_ =	shalt  }
0x55: {  	_ =	shalt  }
0x56: {  	_ =	shalt  }
0x57: {  	_ =	shalt  }
0x58: {  	_ =	shalt  }
0x59: {  	_ =	shalt  }
0x5a: {  	_ =	shalt  }
0x5b: {  	_ =	shalt  }
0x5c: {  	_ =	shalt  }
0x5d: {  	_ =	shalt  }
0x5e: {  	_ =	shalt  }
0x5f: {  	_ =	shalt  }
0x60: {  	_ =	shalt  }
0x61: {  	_ =	shalt  }
0x62: {  	_ =	shalt  }
0x63: {  	_ =	shalt  }
0x64: {  	_ =	shalt  }
0x65: {  	_ =	shalt  }
0x66: {  	_ =	shalt  }
0x67: {  	_ =	shalt  }
0x68: {  	_ =	shalt  }
0x69: {  	_ =	shalt  }
0x6a: {  	_ =	shalt  }
0x6b: {  	_ =	shalt  }
0x6c: {  	_ =	shalt  }
0x6d: {  	_ =	shalt  }
0x6e: {  	_ =	shalt  }
0x6f: {  	_ =	shalt  }
0x70: {  	_ =	shalt  }
0x71: {  	_ =	shalt  }
0x72: {  	_ =	shalt  }
0x73: {  	_ =	shalt  }
0x74: {  	_ =	shalt  }
0x75: {  	_ =	shalt  }
0x76: {  	_ =	shalt  }
0x77: {  	_ =	shalt  }
0x78: {  	_ =	shalt  }
0x79: {  	_ =	shalt  }
0x7a: {  	_ =	shalt  }
0x7b: {  	_ =	shalt  }
0x7c: {  	_ =	shalt  }
0x7d: {  	_ =	shalt  }
0x7e: {  	_ =	shalt  }
0x7f: {  	_ =	shalt  }
0x80: {  	_ =	shalt  }
0x81: {  	_ =	shalt  }
0x82: {  	_ =	shalt  }
0x83: {  	_ =	shalt  }
0x84: {  	_ =	shalt  }
0x85: {  	_ =	shalt  }
0x86: {  	_ =	shalt  }
0x87: {  	_ =	shalt  }
.Lfunc_end0:
.L_simem_size_0:
called_computation_lowered:
.L_overlay_start_0:
0x88: {  	s2 =	sld [smem:$0x3FD9]  }
0x89: {  	s3 =	sld [smem:$0x3FFE];
	_ =	sdelay $0x1  }
0x8a: {  	s1 =	srdreg.scid  }
0x8b: {  	s0 =	sand.u32 $0x1, s1  }
0x8c: {  	s16 =	sshll.u32 s0, $0xA;
	s2 =	sadd.s32 s3, s2  }
0x8d: {  	s2 =	sadd.s32 s2, s16  }
0x8e: {  	[smem:$0x3FC5] =	sst s2  }
0x8f: {  	_ = 	snop  }
0x90: {  	(tm) =	ssettm $0x1  }
0x91: {  	s17 =	sld [smem:$0x3FFB];
	_ =	sdelay $0x3  }
0x92: {  	_ =	strace s17  }
0x93: {  	s2 =	sld [smem:$0x3FFC];
	_ =	sdelay $0x3  }
0x94: {  	_ =	strace s2  }
0x95: {  	s2 =	sld [smem:$0x3FFD];
	_ =	sdelay $0x3  }
0x96: {  	_ =	strace s2  }
0x97: {  	_ =	strace $0x8FFFFFFF  }
0x98: {  	s18 =	sld [smem:$0x3FDB];
	_ =	sdelay $0x1  }
0x99: {  	s19 =	simm.s32 $_scs_section_size  }
0x9a: {  	s4 =	simm.s32 $_size__tile_overlayer_lowered;
	s5 =	simm.s32 $_tile_overlayer_lowered  }
0x9b: {  	s22 =	simm.s32 $0x1BFF;
	s21 =	sshll.u32 s5, $0x1;
	s2 =	sadd.s32 s19, s18  }
0x9c: {  	s6 =	simm.s32 $0x0;
	s20 =	sshll.u32 s4, $0x1;
	s4 =	sadd.s32 s21, s2  }
0x9d: {  	[timem:s6], [sflag:s22] =	dma.local [hbm:s4], s20  }
0x9e: {  	_ =	swait.ge [sflag:s22], s20  }
0x9f: {  	s3 =	ssub.s32 $0x0, s20;
	[sflag:s22] =	ssyncset.done $0x0  }
0xa0: {  	[sflag:s22] =	ssyncadd.s32 s3;
	_ =	sdelay $0x1  }
0xa1: {  	s23 =	simm.s32 $0x1B8B  }
0xa2: {  	_ =	swait.ge [sflag:s23], $0x1  }
0xa3: {  	[sflag:s23] =	ssyncset.done $0x0  }
0xa4: {  	s25 =	simm.s32 $0x1B8E;
	s24 =	sld [smem:$0x3FFE];
	[sflag:s23] =	ssyncadd.s32 $0xFFFFFFFF  }
0xa5: {  	s26 =	simm.s32 $execute0_lowered;
	[smem:$0x3FD2] =	sst s25  }
0xa6: {  	s4 =	sshll.u32 s26, $0x1;
	_ =	strace $0x80000046;
	[dreg:$0x1] =	wrdreg $0xFFFFFFFF  }
0xa7: {  	s28 =	simm.s32 $_size_execute0_lowered;
	s2 =	sadd.s32 s2, s4;
	[dreg:$0x0] =	wrdreg $0x0  }
0xa8: {  	s4 =	sshll.u32 s28, $0x1;
	[dreg:$0x2] =	wrdreg s2  }
0xa9: {  	[dreg:$0x3] =	wrdreg s4  }
0xaa: {  	[dreg:$0x4] =	wrdreg $0xC0  }
0xab: {  	_ =	task [dreg:s6], $0x5FFFF  }
0xac: {  	[dreg:$0x1] =	wrdreg $0xFFFFFFFF  }
0xad: {  	[dreg:$0x0] =	wrdreg $0x60  }
0xae: {  	[dreg:$0x2] =	wrdreg s24  }
0xaf: {  	[dreg:$0x3] =	wrdreg $0x9  }
0xb0: {  	_ =	task.clear_ibuf [dreg:s6], $0x4FFFF;
	_ =	strace $0x90000046  }
0xb1: {  	s29 =	simm.s32 $0x9;
	_ =	strace $0x80000048  }
0xb2: {  	_ =	swait.ge [sflag:s29], $0x1  }
0xb3: {  	[sflag:s29] =	ssyncadd.s32 $0xFFFFFFFF  }
0xb4: {  	_ =	strace $0x90000048  }
0xb5: {  	_ =	sfence  }
0xb6: {  	s30 =	sld [smem:$0x0];
	_ =	sdelay $0x2  }
0xb7: {  	s31 =	sshll.u32 s1, $0xD;
	s1 =	sshrl.u32 s1, $0x2  }
0xb8: {  	s3 =	sand.u32 $0x4000, s31;
	s1 =	sadd.s32 s1, s30  }
0xb9: {  	s0 =	sor.u32 s3, s0;
	s1 =	sshll.u32 s1, $0x11  }
0xba: {  	s0 =	sor.u32 s1, s0  }
0xbb: {  	s0 =	sadd.s32 $0x8F2B, s0  }
0xbc: {  	[sflag:s0] =	ssyncadd.remote.s32 $0x1  }
0xbd: {  	_ =	sfence.sel $0xFFFF  }
0xbe: {  	[dreg:$0x0] =	wrdreg $0xFFFFFFFF;
	(pc) =	sbr.abs _section_cstart, $3  }
0xbf: {  	[dreg:$0x1] =	wrdreg $0xFFFFFFFF  }
0xc0: {  	_ =	task.clear_ibuf [dreg:s6], $0x2FFFF;
	_ =	strace $0x9FFFFFFF  }
0xc1: {  	(tm) =	ssettm $0x7FFFFFFF  }
tec
execute0_lowered:
.L_overlay_start_1:
0x0: {  	(tag) =	ssettag $0x1  }
0x1: {  	s1 =	srdreg.scid  }
0x2: {  	s0 =	stileid.u32;
	s4 =	rddreg [dreg:$0x0];
	s2 =	simm.s32 $0x0  }
0x3: {  	s10 =	simm.s32 $0x80;
	s11 =	simm.s32 $0x1800;
	s12 =	simm.s32 $0x1  }
0x4: {  	s13 =	simm.s32 $0x2000;
	s14 =	simm.s32 $0x100;
	s15 =	simm.s32 $0x2800  }
0x5: {  	s16 =	simm.s32 $0x180;
	s17 =	simm.s32 $0x3000;
	s18 =	simm.s32 $0x2  }
0x6: {  	s19 =	simm.s32 $0x15800;
	s3 =	sand.u32 $0x1, s1;
	s1 =	rddreg [dreg:$0x1]  }
0x7: {  	s20 =	simm.s32 $0x0;
	s5 =	sshll.u32 s0, $0x1;
	[smem:$0x7FF] =	sst s2  }
0x8: {  	s5 =	sor.u32 s3, s5;
	_ =	strace $0x80000047;
	s8 =	ssub.s32 $0x2, s3  }
0x9: {  	s3 =	sadd.s32 $0xA00, s4;
	s6 =	sshll.u32 s5, $0x7;
	s7 =	smul.u32 $0x280, s5  }
0xa: {  	s5 =	sshll.u32 s5, $0xA;
	s31 =	sshrl.u32 s8, $0x1;
	s6 =	sadd.s32 s6, s4  }
0xb: {  	s9 =	sadd.s32 s5, s4;
	s8 =	ssub.s32 s8, s31;
	s7 =	sadd.s32 s7, s4  }
0xc: {  	s4 =	sadd.s32 $0x1EE000, s6;
	s6 =	sadd.s32 $0x1EF000, s9;
	s9 =	simm.s32 $0x400  }
0xd: {  	s5 =	sadd.s32 $0x1E9000, s7;
	s7 =	smax.u32 s8, $0x1;
	s8 =	simm.s32 $0x3  }
.LBB2_1:
0xe: {  	[tilespmem:s2], [sflag:$0x3] =	stream.linear.gather [hbm4b:s4+s2], $0x400, $0x38;
	[tilespmem:$0x17800] =	vst v63  }
0xf: {  	_ =	swait.ge [sflag:s8], $0x400  }
0x10: {  	[sflag:s8] =	ssyncset.done $0x0  }
0x11: {  	[sflag:s8] =	ssyncadd.s32 $0xFFFFFC00  }
0x12: {  	[tilespmem:s9], [sflag:$0x3] =	stream.linear.gather [hbm4b:s5+s2], $0x1400, $0x38;
	[tilespmem:$0x17800] =	vst v63  }
0x13: {  	_ =	swait.ge [sflag:s8], $0x1400  }
0x14: {  	[sflag:s8] =	ssyncset.done $0x0  }
0x15: {  	[sflag:s8] =	ssyncadd.s32 $0xFFFFEC00  }
0x16: {  	[tilespmem:s11], [sflag:$0x1] =	stream.indirect.gather [hbm4b:s3+s10], $0x10, s2, s10, $0xb8;
	[tilespmem:$0x17800] =	vst v63  }
0x17: {  	_ =	swait.ge [sflag:s12], $0x800  }
0x18: {  	[sflag:s12] =	ssyncset.done $0x0  }
0x19: {  	[sflag:s12] =	ssyncadd.s32 $0xFFFFF800  }
0x1a: {  	[tilespmem:s13], [sflag:$0x1] =	stream.indirect.gather [hbm4b:s3+s10], $0x10, s10, s10, $0xb8;
	[tilespmem:$0x17800] =	vst v63  }
0x1b: {  	_ =	swait.ge [sflag:s12], $0x800  }
0x1c: {  	[sflag:s12] =	ssyncset.done $0x0  }
0x1d: {  	[sflag:s12] =	ssyncadd.s32 $0xFFFFF800  }
0x1e: {  	[tilespmem:s15], [sflag:$0x1] =	stream.indirect.gather [hbm4b:s3+s10], $0x10, s14, s10, $0xb8;
	[tilespmem:$0x17800] =	vst v63  }
0x1f: {  	_ =	swait.ge [sflag:s12], $0x800  }
0x20: {  	[sflag:s12] =	ssyncset.done $0x0  }
0x21: {  	[sflag:s12] =	ssyncadd.s32 $0xFFFFF800  }
0x22: {  	[tilespmem:s17], [sflag:$0x1] =	stream.indirect.gather [hbm4b:s3+s10], $0x10, s16, s10, $0xb8;
	[tilespmem:$0x17800] =	vst v63  }
0x23: {  	_ =	swait.ge [sflag:s12], $0x800  }
0x24: {  	[sflag:s12] =	ssyncset.done $0x0  }
0x25: {  	s21 =	simm.s32 $0x3800;
	s22 =	simm.s32 $0x400;
	[sflag:s12] =	ssyncadd.s32 $0xFFFFF800  }
0x26: {  	[tilespmem:s21], [sflag:$0x2] =	stream.indirect.gather [hbm4b:s3+s10], $0x10, s22, s10, $0xb8;
	[tilespmem:$0x17800] =	vst v63  }
0x27: {  	s22 =	simm.s32 $0x200;
	_ =	swait.ge [sflag:s18], $0x800  }
.LBB2_2:
0x28: {  	s23 =	sshra.s32 s22, $0x2  }
0x29: {  	[sflag:s18] =	ssyncset.done $0x0;
	s21 =	sadd.s32 $0x800, s21;
	p0 =	sne.s32 s22, $0x4600  }
.Ltmp0:
0x2a: {  	s23 =	sadd.s32 $0x400, s23;
	[sflag:s18] =	ssyncadd.s32 $0xFFFFF800;
	(pc) =	sbr.rel @p0 .LBB2_2-.Ltmp0, $3  }
0x2b: {  	[tilespmem:s21], [sflag:$0x2] =	stream.indirect.gather [hbm4b:s3+s10], $0x10, s23, s10, $0xb8;
	[tilespmem:$0x17800] =	vst v63  }
0x2c: {  	s22 =	sadd.s32 $0x200, s22;
	_ =	sdelay $0x1  }
0x2d: {  	_ =	swait.ge [sflag:s18], $0x800  }
0x2e: {  	[sflag:s18] =	ssyncset.done $0x0  }
0x2f: {  	s21 =	simm.s32 $0x3840;
	[sflag:s18] =	ssyncadd.s32 $0xFFFFF800  }
0x30: {  	v0 =	vld [tilespmem:s21+$0xFFFFFFD0]  }
0x31: {  	v1 =	vld [tilespmem:s21+$0xFFFFFFC0];
	_ =	sdelay $0x1  }
0x32: {  	v2 =	vld [tilespmem:s21+$0xFFFFFFE0];
	_ =	sdelay $0x1  }
0x33: {  	v3 =	vld [tilespmem:s21+$0xFFFFFFF0]  }
0x34: {  	v0 =	vadd.f32 v0, v1  }
0x35: {  	v1 =	vld [tilespmem:s21+$0x0]  }
0x36: {  	v0 =	vadd.f32 v2, v0  }
0x37: {  	v2 =	vld [tilespmem:s21+$0x10]  }
0x38: {  	v0 =	vadd.f32 v3, v0  }
0x39: {  	v3 =	vld [tilespmem:s21+$0x20]  }
0x3a: {  	v0 =	vadd.f32 v1, v0  }
0x3b: {  	v1 =	vld [tilespmem:s21+$0x30]  }
0x3c: {  	v0 =	vadd.f32 v2, v0  }
0x3d: {  	v2 =	vld [tilespmem:s21+$0x40]  }
0x3e: {  	s21 =	simm.s32 $0x1800;
	v0 =	vadd.f32 v3, v0  }
0x3f: {  	v3 =	vld [tilespmem:s21+$0x0]  }
0x40: {  	v0 =	vadd.f32 v1, v0;
	_ =	sdelay $0x1  }
0x41: {  	v0 =	vadd.f32 v2, v0;
	_ =	sdelay $0x1  }
0x42: {  	s22 =	simm.s32 $0x0;
	v0 =	vmul.f32 v3, v0  }
0x43: {  	s22 =	sand.u32 $0x1FF0, s22  }
0x44: {  	s23 =	simm.s32 $0x38D0;
	[tilespmem:s22+$0x15800] =	vst v0  }
0x45: {  	v0 =	vld [tilespmem:s23+$0xFFFFFFD0]  }
0x46: {  	s24 =	simm.s32 $0x20;
	s22 =	simm.s32 $0x10;
	v1 =	vld [tilespmem:s23+$0xFFFFFFC0]  }
.LBB2_4:
0x47: {  	p0 =	sne.s32 s24, $0x1FF0  }
0x48: {  	v2 =	vld [tilespmem:s23+$0xFFFFFFE0];
	_ =	sdelay $0x1  }
0x49: {  	v3 =	vld [tilespmem:s23+$0xFFFFFFF0]  }
0x4a: {  	v0 =	vadd.f32 v0, v1  }
0x4b: {  	v1 =	vld [tilespmem:s23+$0x0]  }
0x4c: {  	v0 =	vadd.f32 v2, v0  }
0x4d: {  	v2 =	vld [tilespmem:s23+$0x10]  }
0x4e: {  	v0 =	vadd.f32 v3, v0  }
0x4f: {  	v3 =	vld [tilespmem:s23+$0x20]  }
0x50: {  	v0 =	vadd.f32 v1, v0  }
0x51: {  	v1 =	vld [tilespmem:s23+$0x30]  }
0x52: {  	v0 =	vadd.f32 v2, v0  }
0x53: {  	v2 =	vld [tilespmem:s23+$0x40]  }
0x54: {  	s21 =	sadd.s32 $0x10, s21;
	v0 =	vadd.f32 v3, v0  }
0x55: {  	v3 =	vld [tilespmem:s21+$0x0]  }
0x56: {  	v0 =	vadd.f32 v1, v0;
	_ =	sdelay $0x1  }
0x57: {  	v0 =	vadd.f32 v2, v0;
	_ =	sdelay $0x1  }
.Ltmp1:
0x58: {  	v0 =	vmul.f32 v3, v0;
	(pc) =	sbr.rel @p0 .LBB2_4-.Ltmp1, $4  }
0x59: {  	s25 =	sand.u32 $0x1FF0, s22;
	s22 =	smov.u32 s24  }
0x5a: {  	s23 =	sadd.s32 $0x90, s23;
	[tilespmem:s25+$0x15800] =	vst v0  }
0x5b: {  	v0 =	vld [tilespmem:s23+$0xFFFFFFD0]  }
0x5c: {  	s24 =	sadd.s32 $0x10, s24;
	v1 =	vld [tilespmem:s23+$0xFFFFFFC0]  }
0x5d: {  	_ = 	snop  }
0x5e: {  	v2 =	vld [tilespmem:s23+$0xFFFFFFE0];
	_ =	sdelay $0x1  }
0x5f: {  	v3 =	vld [tilespmem:s23+$0xFFFFFFF0]  }
0x60: {  	v0 =	vadd.f32 v0, v1  }
0x61: {  	v58 =	vld [tilespmem:s23+$0x0]  }
0x62: {  	v0 =	vadd.f32 v2, v0  }
0x63: {  	v59 =	vld [tilespmem:s23+$0x10]  }
0x64: {  	v0 =	vadd.f32 v3, v0  }
0x65: {  	v60 =	vld [tilespmem:s23+$0x20]  }
0x66: {  	v0 =	vadd.f32 v58, v0  }
0x67: {  	v61 =	vld [tilespmem:s23+$0x30]  }
0x68: {  	v0 =	vadd.f32 v59, v0  }
0x69: {  	v62 =	vld [tilespmem:s23+$0x40]  }
0x6a: {  	s21 =	sadd.s32 $0x10, s21;
	v0 =	vadd.f32 v60, v0  }
0x6b: {  	v63 =	vld [tilespmem:s21+$0x0]  }
0x6c: {  	v0 =	vadd.f32 v61, v0;
	_ =	sdelay $0x1  }
0x6d: {  	v0 =	vadd.f32 v62, v0;
	_ =	sdelay $0x1  }
0x6e: {  	s20 =	sadd.s32 $0x1, s20;
	v0 =	vmul.f32 v63, v0  }
0x6f: {  	s31 =	sand.u32 $0x1FF0, s22;
	p0 =	sne.s32 s20, s7  }
.Ltmp2:
0x70: {  	[tilespmem:s31+$0x15800] =	vst v0;
	(pc) =	sbr.rel @p0 .LBB2_1-.Ltmp2, $4  }
0x71: {  	[hbm4b:s6+s2] =	stream.linear.scatter [tilespmem:s19], [sflag:$0x3], $0x2000, $0x38;
	[tilespmem:$0x17800] =	vst v63  }
0x72: {  	_ =	swait.ge [sflag:s8], $0x2000  }
0x73: {  	[sflag:s8] =	ssyncset.done $0x0  }
0x74: {  	[sflag:s8] =	ssyncadd.s32 $0xFFFFE000  }
0x75: {  	_ =	sfence.sel $0x180000  }
0x76: {  	[bflag:$0x0] =	sbarrier.arrive $0xFFFF  }
0x77: {  	p0 =	sne.s32 s0, $0x0;
	_ =	strace $0x90000047  }
0x78: {  	s0 =	sadd.s32 @!p0 $0x100000, s1;
	[bflag:$0x2] =	sbarrier.arrive $0xFFFF  }
0x79: {  	[sflag:s0] =	ssyncadd.tile.s32 @!p0 $0x1;
	_ =	shalt  }
.Lfunc_end2:
_tile_overlayer_lowered:
.L_overlay_start_2:
0x7a: {  	(tag) =	ssettag $0x2  }
0x7b: {  	s0 =	rddreg [dreg:$0x0];
	s2 =	stileid.u32  }
0x7c: {  	s1 =	rddreg [dreg:$0x1];
	p0 =	sne.s32 s2, $0x0  }
0x7d: {  	s3 =	rddreg [dreg:$0x2];
	[bflag:$0x3] =	sbarrier.arrive $0xFFFF;
	s2 =	simm.s32 @!p0 $0x1C03  }
0x7e: {  	[timem:s3], [sflag:s2] =	dma.local @!p0 [hbm:s0], s1  }
0x7f: {  	s0 =	simm.s32 @!p0 $0x3  }
0x80: {  	_ =	swait.ge @!p0 [sflag:s0], s1  }
0x81: {  	s1 =	ssub.s32 @!p0 $0x0, s1;
	[sflag:s0] =	ssyncset.done @!p0 $0x0  }
0x82: {  	[sflag:s0] =	ssyncadd.s32 @!p0 s1  }
0x83: {  	[bflag:$0x3] =	sbarrier.arrive $0xFFFF  }
0x84: {  	_ =	shalt  }

</sc_bundles>
